<compile_context>
chip_gen: v7x
topology: tpu7x:2x2x1
jax: 0.10.2.dev20260603
libtpu: 0.0.44.dev20260713+nightly
codegen_flags: <defaults>
</compile_context>

<pallas_src>
import functools

import jax
import jax.numpy as jnp
from jax import lax
from jax.experimental import pallas as pl
from jax.experimental.pallas import tpu as pltpu
from jax.experimental.pallas import tpu_sc as plsc

VOCAB = 100000
EMBED_DIM = 128
BATCH = 4096
HIST_LEN = 50

NUM_CORES = 2
NUM_SUBCORES = 16
NW = NUM_CORES * NUM_SUBCORES
TOTAL = BATCH * HIST_LEN
B_PER_W = TOTAL // NW
CHUNK = 128
N_CHUNKS = B_PER_W // CHUNK
NBUF = 5
N_OUTER = N_CHUNKS // NBUF


def _make_kernel():
    mesh = plsc.VectorSubcoreMesh(core_axis_name="c", subcore_axis_name="s")

    @functools.partial(
        pl.kernel,
        mesh=mesh,
        out_type=jax.ShapeDtypeStruct((TOTAL, EMBED_DIM), jnp.float32),
        scratch_types=[
            pltpu.VMEM((N_CHUNKS, CHUNK), jnp.int32),
        ]
        + [pltpu.VMEM((CHUNK, EMBED_DIM), jnp.float32) for _ in range(NBUF)]
        + [pltpu.SemaphoreType.DMA for _ in range(2 * NBUF)],
    )
    def gather_kernel(idx_hbm, table_hbm, out_hbm, idx_v, *scratch):
        bufs = scratch[:NBUF]
        gsem = scratch[NBUF : 2 * NBUF]
        osem = scratch[2 * NBUF :]
        wid = lax.axis_index("s") * NUM_CORES + lax.axis_index("c")
        col = wid * CHUNK
        pltpu.sync_copy(idx_hbm.at[:, pl.ds(col, CHUNK)], idx_v)

        def out_slice(j):
            return out_hbm.at[pl.ds(j * BATCH + col, CHUNK)]

        for b in range(NBUF):
            pltpu.async_copy(table_hbm.at[idx_v.at[b]], bufs[b], gsem[b])

        def body(i, carry):
            for b in range(NBUF):
                j = i * NBUF + b
                pltpu.make_async_copy(
                    table_hbm.at[idx_v.at[j]], bufs[b], gsem[b]
                ).wait()
                pltpu.async_copy(bufs[b], out_slice(j), osem[b])
            for b in range(NBUF):
                j = i * NBUF + b
                pltpu.make_async_copy(bufs[b], out_slice(j), osem[b]).wait()

                @pl.when(i < N_OUTER - 1)
                def _():
                    pltpu.async_copy(
                        table_hbm.at[idx_v.at[j + NBUF]], bufs[b], gsem[b]
                    )

            return carry

        lax.fori_loop(0, N_OUTER, body, 0)

    return gather_kernel


_kernel_fn = _make_kernel()


def kernel(indices, table):
    out = _kernel_fn(indices.T, table)
    return out.reshape(HIST_LEN, BATCH, EMBED_DIM).transpose(1, 0, 2)

# --- scband reference (transcript-rebuilt; emitter-appended) ---
"""Pipeline reference for scband-rnn-2826088481055 (READ-ONLY COPY).

The authoritative reference and input builder live on the scoring server;
editing this copy changes nothing except your own understanding.
"""

import jax, jax.numpy as jnp
import numpy as np

VOCAB = 100000
EMBED_DIM = 128
BATCH = 4096
HIST_LEN = 50
DROP_P = 0.1  # eval mode: dropout is identity


def setup_inputs(seed: int = 0) -> dict:
    key = jax.random.key(seed)
    k_idx, k_tab = jax.random.split(key)
    indices = jax.random.randint(k_idx, (BATCH, HIST_LEN), 0, VOCAB, dtype=jnp.int32)
    # nn.Embedding default init: N(0, 1)
    table = jax.random.normal(k_tab, (VOCAB, EMBED_DIM), dtype=jnp.float32)
    return {"indices": indices, "table": table}


def reference(indices, table):
    # encoder: nn.Embedding lookup -> gather rows of the table
    emb = jnp.take(table, indices, axis=0)  # [B, L, D]
    # self.drop applied in eval mode -> identity (faithful to inference behavior)
    return emb

if __name__ == "__main__":
    import jax
    _d = setup_inputs()
    print(jax.jit(kernel)(*tuple(_d.values())))

</pallas_src>

<mosaic_0001>
#map = affine_map<(d0, d1) -> (0, 0)>
module attributes {stable_mosaic.version = 14 : i64} {
  func.func @gather_kernel(%arg0: i32, %arg1: i32, %arg2: memref<50x4096xi32, #tpu.memory_space<hbm>>, %arg3: memref<100000x128xf32, #tpu.memory_space<hbm>>, %arg4: memref<204800x128xf32, #tpu.memory_space<hbm>>, %arg5: memref<50x128xi32, #tpu.memory_space<vmem>>, %arg6: memref<128x128xf32, #tpu.memory_space<vmem>>, %arg7: memref<128x128xf32, #tpu.memory_space<vmem>>, %arg8: memref<128x128xf32, #tpu.memory_space<vmem>>, %arg9: memref<128x128xf32, #tpu.memory_space<vmem>>, %arg10: memref<128x128xf32, #tpu.memory_space<vmem>>, %arg11: memref<!tpu.dma_semaphore, #tpu.memory_space<semaphore_mem>>, %arg12: memref<!tpu.dma_semaphore, #tpu.memory_space<semaphore_mem>>, %arg13: memref<!tpu.dma_semaphore, #tpu.memory_space<semaphore_mem>>, %arg14: memref<!tpu.dma_semaphore, #tpu.memory_space<semaphore_mem>>, %arg15: memref<!tpu.dma_semaphore, #tpu.memory_space<semaphore_mem>>, %arg16: memref<!tpu.dma_semaphore, #tpu.memory_space<semaphore_mem>>, %arg17: memref<!tpu.dma_semaphore, #tpu.memory_space<semaphore_mem>>, %arg18: memref<!tpu.dma_semaphore, #tpu.memory_space<semaphore_mem>>, %arg19: memref<!tpu.dma_semaphore, #tpu.memory_space<semaphore_mem>>, %arg20: memref<!tpu.dma_semaphore, #tpu.memory_space<semaphore_mem>>) attributes {dimension_semantics = [#tpu.dimension_semantics<core_parallel>, #tpu.dimension_semantics<subcore_parallel>], iteration_bounds = array<i64: 2, 16>, scalar_prefetch = 0 : i64, scratch_operands = 16 : i64, tpu.core_type = #tpu.core_type<sc_vector_subcore>, window_params = [{transform_indices = #map}, {transform_indices = #map}, {transform_indices = #map}]} {
    %mul3A = arith.constant 2 : i32
    %mul3A_0 = arith.muli %arg1, %mul3A : i32
    %add3A = arith.addi %mul3A_0, %arg0 : i32
    %mul3A_1 = arith.constant 128 : i32
    %mul3A_2 = arith.muli %add3A, %mul3A_1 : i32
    "tpu.region"() ({
      %run_scoped3A = tpu.sem_alloc : memref<!tpu.dma_semaphore, #tpu.memory_space<semaphore_mem>>
      %dma_start3A_42 = arith.constant 0 : i32
      %dma_start3A_43 = tpu.memref_slice %arg2[%dma_start3A_42, %mul3A_2] : memref<50x4096xi32, #tpu.memory_space<hbm>> -> memref<50x128xi32, #tpu.memory_space<hbm>>
      %dma_start3A_44 = arith.constant 0 : i32
      %dma_start3A_45 = tpu.memref_slice %arg2[%dma_start3A_44, %mul3A_2] : memref<50x4096xi32, #tpu.memory_space<hbm>> -> memref<50x128xi32, #tpu.memory_space<hbm>>
      tpu.enqueue_dma source(%dma_start3A_45 : memref<50x128xi32, #tpu.memory_space<hbm>>) target(%arg5 : memref<50x128xi32, #tpu.memory_space<vmem>>) target_semaphore(%run_scoped3A : memref<!tpu.dma_semaphore, #tpu.memory_space<semaphore_mem>>)
      %dma_wait3A = arith.constant 0 : i32
      %dma_wait3A_46 = tpu.memref_slice %arg2[%dma_wait3A, %mul3A_2] : memref<50x4096xi32, #tpu.memory_space<hbm>> -> memref<50x128xi32, #tpu.memory_space<hbm>>
      %dma_wait3A_47 = arith.constant 0 : i32
      %dma_wait3A_48 = tpu.memref_slice %arg2[%dma_wait3A_47, %mul3A_2] : memref<50x4096xi32, #tpu.memory_space<hbm>> -> memref<50x128xi32, #tpu.memory_space<hbm>>
      tpu.wait_dma2 semaphore(%run_scoped3A : memref<!tpu.dma_semaphore, #tpu.memory_space<semaphore_mem>>) src(%dma_wait3A_48 : memref<50x128xi32, #tpu.memory_space<hbm>>) dst(%arg5 : memref<50x128xi32, #tpu.memory_space<vmem>>)
      tpu.yield
    }) : () -> ()
    %dma_start3A = arith.constant 0 : i32
    %dma_start3A_3 = arith.constant 0 : i32
    %dma_start3A_4 = tpu.memref_slice %arg5[%dma_start3A, %dma_start3A_3] : memref<50x128xi32, #tpu.memory_space<vmem>> -> memref<1x128xi32, #tpu.memory_space<vmem>>
    %dma_start3A_5 = tpu.memref_squeeze %dma_start3A_4 : memref<1x128xi32, #tpu.memory_space<vmem>> -> memref<128xi32, #tpu.memory_space<vmem>>
    %dma_start3A_6 = arith.constant 0 : i32
    %dma_start3A_7 = arith.constant 0 : i32
    %dma_start3A_8 = tpu.memref_slice %arg3[%dma_start3A_6, %dma_start3A_7] : memref<100000x128xf32, #tpu.memory_space<hbm>> -> memref<100000x128xf32, #tpu.memory_space<hbm>>
    tpu.enqueue_indirect_dma source(%dma_start3A_8 : memref<100000x128xf32, #tpu.memory_space<hbm>>) target(%arg6 : memref<128x128xf32, #tpu.memory_space<vmem>>) offsets(%dma_start3A_5 : memref<128xi32, #tpu.memory_space<vmem>>) semaphore(%arg11 : memref<!tpu.dma_semaphore, #tpu.memory_space<semaphore_mem>>)
    %dma_start3A_9 = arith.constant 1 : i32
    %dma_start3A_10 = arith.constant 0 : i32
    %dma_start3A_11 = tpu.memref_slice %arg5[%dma_start3A_9, %dma_start3A_10] : memref<50x128xi32, #tpu.memory_space<vmem>> -> memref<1x128xi32, #tpu.memory_space<vmem>>
    %dma_start3A_12 = tpu.memref_squeeze %dma_start3A_11 : memref<1x128xi32, #tpu.memory_space<vmem>> -> memref<128xi32, #tpu.memory_space<vmem>>
    %dma_start3A_13 = arith.constant 0 : i32
    %dma_start3A_14 = arith.constant 0 : i32
    %dma_start3A_15 = tpu.memref_slice %arg3[%dma_start3A_13, %dma_start3A_14] : memref<100000x128xf32, #tpu.memory_space<hbm>> -> memref<100000x128xf32, #tpu.memory_space<hbm>>
    tpu.enqueue_indirect_dma source(%dma_start3A_15 : memref<100000x128xf32, #tpu.memory_space<hbm>>) target(%arg7 : memref<128x128xf32, #tpu.memory_space<vmem>>) offsets(%dma_start3A_12 : memref<128xi32, #tpu.memory_space<vmem>>) semaphore(%arg12 : memref<!tpu.dma_semaphore, #tpu.memory_space<semaphore_mem>>)
    %dma_start3A_16 = arith.constant 2 : i32
    %dma_start3A_17 = arith.constant 0 : i32
    %dma_start3A_18 = tpu.memref_slice %arg5[%dma_start3A_16, %dma_start3A_17] : memref<50x128xi32, #tpu.memory_space<vmem>> -> memref<1x128xi32, #tpu.memory_space<vmem>>
    %dma_start3A_19 = tpu.memref_squeeze %dma_start3A_18 : memref<1x128xi32, #tpu.memory_space<vmem>> -> memref<128xi32, #tpu.memory_space<vmem>>
    %dma_start3A_20 = arith.constant 0 : i32
    %dma_start3A_21 = arith.constant 0 : i32
    %dma_start3A_22 = tpu.memref_slice %arg3[%dma_start3A_20, %dma_start3A_21] : memref<100000x128xf32, #tpu.memory_space<hbm>> -> memref<100000x128xf32, #tpu.memory_space<hbm>>
    tpu.enqueue_indirect_dma source(%dma_start3A_22 : memref<100000x128xf32, #tpu.memory_space<hbm>>) target(%arg8 : memref<128x128xf32, #tpu.memory_space<vmem>>) offsets(%dma_start3A_19 : memref<128xi32, #tpu.memory_space<vmem>>) semaphore(%arg13 : memref<!tpu.dma_semaphore, #tpu.memory_space<semaphore_mem>>)
    %dma_start3A_23 = arith.constant 3 : i32
    %dma_start3A_24 = arith.constant 0 : i32
    %dma_start3A_25 = tpu.memref_slice %arg5[%dma_start3A_23, %dma_start3A_24] : memref<50x128xi32, #tpu.memory_space<vmem>> -> memref<1x128xi32, #tpu.memory_space<vmem>>
    %dma_start3A_26 = tpu.memref_squeeze %dma_start3A_25 : memref<1x128xi32, #tpu.memory_space<vmem>> -> memref<128xi32, #tpu.memory_space<vmem>>
    %dma_start3A_27 = arith.constant 0 : i32
    %dma_start3A_28 = arith.constant 0 : i32
    %dma_start3A_29 = tpu.memref_slice %arg3[%dma_start3A_27, %dma_start3A_28] : memref<100000x128xf32, #tpu.memory_space<hbm>> -> memref<100000x128xf32, #tpu.memory_space<hbm>>
    tpu.enqueue_indirect_dma source(%dma_start3A_29 : memref<100000x128xf32, #tpu.memory_space<hbm>>) target(%arg9 : memref<128x128xf32, #tpu.memory_space<vmem>>) offsets(%dma_start3A_26 : memref<128xi32, #tpu.memory_space<vmem>>) semaphore(%arg14 : memref<!tpu.dma_semaphore, #tpu.memory_space<semaphore_mem>>)
    %dma_start3A_30 = arith.constant 4 : i32
    %dma_start3A_31 = arith.constant 0 : i32
    %dma_start3A_32 = tpu.memref_slice %arg5[%dma_start3A_30, %dma_start3A_31] : memref<50x128xi32, #tpu.memory_space<vmem>> -> memref<1x128xi32, #tpu.memory_space<vmem>>
    %dma_start3A_33 = tpu.memref_squeeze %dma_start3A_32 : memref<1x128xi32, #tpu.memory_space<vmem>> -> memref<128xi32, #tpu.memory_space<vmem>>
    %dma_start3A_34 = arith.constant 0 : i32
    %dma_start3A_35 = arith.constant 0 : i32
    %dma_start3A_36 = tpu.memref_slice %arg3[%dma_start3A_34, %dma_start3A_35] : memref<100000x128xf32, #tpu.memory_space<hbm>> -> memref<100000x128xf32, #tpu.memory_space<hbm>>
    tpu.enqueue_indirect_dma source(%dma_start3A_36 : memref<100000x128xf32, #tpu.memory_space<hbm>>) target(%arg10 : memref<128x128xf32, #tpu.memory_space<vmem>>) offsets(%dma_start3A_33 : memref<128xi32, #tpu.memory_space<vmem>>) semaphore(%arg15 : memref<!tpu.dma_semaphore, #tpu.memory_space<semaphore_mem>>)
    %scan3A = arith.constant 0 : i32
    %scan3A_37 = arith.constant 0 : i32
    %scan3A_38 = arith.constant 10 : i32
    %scan3A_39 = arith.addi %scan3A_37, %scan3A_38 : i32
    %scan3A_40 = arith.constant 1 : i32
    scf.for %scan3A_42 = %scan3A_37 to %scan3A_39 step %scan3A_40  : i32 {
      %mul3A_43 = arith.constant 5 : i32
      %mul3A_44 = arith.muli %scan3A_42, %mul3A_43 : i32
      %add3A_45 = arith.constant 0 : i32
      %add3A_46 = arith.addi %mul3A_44, %add3A_45 : i32
      %dma_wait3A = arith.constant 0 : i32
      %dma_wait3A_47 = tpu.memref_slice %arg5[%add3A_46, %dma_wait3A] : memref<50x128xi32, #tpu.memory_space<vmem>> -> memref<1x128xi32, #tpu.memory_space<vmem>>
      %dma_wait3A_48 = tpu.memref_squeeze %dma_wait3A_47 : memref<1x128xi32, #tpu.memory_space<vmem>> -> memref<128xi32, #tpu.memory_space<vmem>>
      %dma_wait3A_49 = arith.constant 0 : i32
      %dma_wait3A_50 = arith.constant 0 : i32
      %dma_wait3A_51 = tpu.memref_slice %arg3[%dma_wait3A_49, %dma_wait3A_50] : memref<100000x128xf32, #tpu.memory_space<hbm>> -> memref<100000x128xf32, #tpu.memory_space<hbm>>
      tpu.wait_indirect_dma semaphore(%arg11 : memref<!tpu.dma_semaphore, #tpu.memory_space<semaphore_mem>>) src(%dma_wait3A_51 : memref<100000x128xf32, #tpu.memory_space<hbm>>) dst(%arg6 : memref<128x128xf32, #tpu.memory_space<vmem>>)
      %mul3A_52 = arith.constant 4096 : i32
      %mul3A_53 = arith.muli %add3A_46, %mul3A_52 : i32
      %add3A_54 = arith.addi %mul3A_53, %mul3A_2 : i32
      %dma_start3A_55 = arith.constant 0 : i32
      %dma_start3A_56 = tpu.memref_slice %arg4[%add3A_54, %dma_start3A_55] : memref<204800x128xf32, #tpu.memory_space<hbm>> -> memref<128x128xf32, #tpu.memory_space<hbm>>
      %dma_start3A_57 = arith.constant 0 : i32
      %dma_start3A_58 = tpu.memref_slice %arg4[%add3A_54, %dma_start3A_57] : memref<204800x128xf32, #tpu.memory_space<hbm>> -> memref<128x128xf32, #tpu.memory_space<hbm>>
      tpu.enqueue_dma source(%arg6 : memref<128x128xf32, #tpu.memory_space<vmem>>) target(%dma_start3A_58 : memref<128x128xf32, #tpu.memory_space<hbm>>) target_semaphore(%arg16 : memref<!tpu.dma_semaphore, #tpu.memory_space<semaphore_mem>>)
      %mul3A_59 = arith.constant 5 : i32
      %mul3A_60 = arith.muli %scan3A_42, %mul3A_59 : i32
      %add3A_61 = arith.constant 1 : i32
      %add3A_62 = arith.addi %mul3A_60, %add3A_61 : i32
      %dma_wait3A_63 = arith.constant 0 : i32
      %dma_wait3A_64 = tpu.memref_slice %arg5[%add3A_62, %dma_wait3A_63] : memref<50x128xi32, #tpu.memory_space<vmem>> -> memref<1x128xi32, #tpu.memory_space<vmem>>
      %dma_wait3A_65 = tpu.memref_squeeze %dma_wait3A_64 : memref<1x128xi32, #tpu.memory_space<vmem>> -> memref<128xi32, #tpu.memory_space<vmem>>
      %dma_wait3A_66 = arith.constant 0 : i32
      %dma_wait3A_67 = arith.constant 0 : i32
      %dma_wait3A_68 = tpu.memref_slice %arg3[%dma_wait3A_66, %dma_wait3A_67] : memref<100000x128xf32, #tpu.memory_space<hbm>> -> memref<100000x128xf32, #tpu.memory_space<hbm>>
      tpu.wait_indirect_dma semaphore(%arg12 : memref<!tpu.dma_semaphore, #tpu.memory_space<semaphore_mem>>) src(%dma_wait3A_68 : memref<100000x128xf32, #tpu.memory_space<hbm>>) dst(%arg7 : memref<128x128xf32, #tpu.memory_space<vmem>>)
      %mul3A_69 = arith.constant 4096 : i32
      %mul3A_70 = arith.muli %add3A_62, %mul3A_69 : i32
      %add3A_71 = arith.addi %mul3A_70, %mul3A_2 : i32
      %dma_start3A_72 = arith.constant 0 : i32
      %dma_start3A_73 = tpu.memref_slice %arg4[%add3A_71, %dma_start3A_72] : memref<204800x128xf32, #tpu.memory_space<hbm>> -> memref<128x128xf32, #tpu.memory_space<hbm>>
      %dma_start3A_74 = arith.constant 0 : i32
      %dma_start3A_75 = tpu.memref_slice %arg4[%add3A_71, %dma_start3A_74] : memref<204800x128xf32, #tpu.memory_space<hbm>> -> memref<128x128xf32, #tpu.memory_space<hbm>>
      tpu.enqueue_dma source(%arg7 : memref<128x128xf32, #tpu.memory_space<vmem>>) target(%dma_start3A_75 : memref<128x128xf32, #tpu.memory_space<hbm>>) target_semaphore(%arg17 : memref<!tpu.dma_semaphore, #tpu.memory_space<semaphore_mem>>)
      %mul3A_76 = arith.constant 5 : i32
      %mul3A_77 = arith.muli %scan3A_42, %mul3A_76 : i32
      %add3A_78 = arith.constant 2 : i32
      %add3A_79 = arith.addi %mul3A_77, %add3A_78 : i32
      %dma_wait3A_80 = arith.constant 0 : i32
      %dma_wait3A_81 = tpu.memref_slice %arg5[%add3A_79, %dma_wait3A_80] : memref<50x128xi32, #tpu.memory_space<vmem>> -> memref<1x128xi32, #tpu.memory_space<vmem>>
      %dma_wait3A_82 = tpu.memref_squeeze %dma_wait3A_81 : memref<1x128xi32, #tpu.memory_space<vmem>> -> memref<128xi32, #tpu.memory_space<vmem>>
      %dma_wait3A_83 = arith.constant 0 : i32
      %dma_wait3A_84 = arith.constant 0 : i32
      %dma_wait3A_85 = tpu.memref_slice %arg3[%dma_wait3A_83, %dma_wait3A_84] : memref<100000x128xf32, #tpu.memory_space<hbm>> -> memref<100000x128xf32, #tpu.memory_space<hbm>>
      tpu.wait_indirect_dma semaphore(%arg13 : memref<!tpu.dma_semaphore, #tpu.memory_space<semaphore_mem>>) src(%dma_wait3A_85 : memref<100000x128xf32, #tpu.memory_space<hbm>>) dst(%arg8 : memref<128x128xf32, #tpu.memory_space<vmem>>)
      %mul3A_86 = arith.constant 4096 : i32
      %mul3A_87 = arith.muli %add3A_79, %mul3A_86 : i32
      %add3A_88 = arith.addi %mul3A_87, %mul3A_2 : i32
      %dma_start3A_89 = arith.constant 0 : i32
      %dma_start3A_90 = tpu.memref_slice %arg4[%add3A_88, %dma_start3A_89] : memref<204800x128xf32, #tpu.memory_space<hbm>> -> memref<128x128xf32, #tpu.memory_space<hbm>>
      %dma_start3A_91 = arith.constant 0 : i32
      %dma_start3A_92 = tpu.memref_slice %arg4[%add3A_88, %dma_start3A_91] : memref<204800x128xf32, #tpu.memory_space<hbm>> -> memref<128x128xf32, #tpu.memory_space<hbm>>
      tpu.enqueue_dma source(%arg8 : memref<128x128xf32, #tpu.memory_space<vmem>>) target(%dma_start3A_92 : memref<128x128xf32, #tpu.memory_space<hbm>>) target_semaphore(%arg18 : memref<!tpu.dma_semaphore, #tpu.memory_space<semaphore_mem>>)
      %mul3A_93 = arith.constant 5 : i32
      %mul3A_94 = arith.muli %scan3A_42, %mul3A_93 : i32
      %add3A_95 = arith.constant 3 : i32
      %add3A_96 = arith.addi %mul3A_94, %add3A_95 : i32
      %dma_wait3A_97 = arith.constant 0 : i32
      %dma_wait3A_98 = tpu.memref_slice %arg5[%add3A_96, %dma_wait3A_97] : memref<50x128xi32, #tpu.memory_space<vmem>> -> memref<1x128xi32, #tpu.memory_space<vmem>>
      %dma_wait3A_99 = tpu.memref_squeeze %dma_wait3A_98 : memref<1x128xi32, #tpu.memory_space<vmem>> -> memref<128xi32, #tpu.memory_space<vmem>>
      %dma_wait3A_100 = arith.constant 0 : i32
      %dma_wait3A_101 = arith.constant 0 : i32
      %dma_wait3A_102 = tpu.memref_slice %arg3[%dma_wait3A_100, %dma_wait3A_101] : memref<100000x128xf32, #tpu.memory_space<hbm>> -> memref<100000x128xf32, #tpu.memory_space<hbm>>
      tpu.wait_indirect_dma semaphore(%arg14 : memref<!tpu.dma_semaphore, #tpu.memory_space<semaphore_mem>>) src(%dma_wait3A_102 : memref<100000x128xf32, #tpu.memory_space<hbm>>) dst(%arg9 : memref<128x128xf32, #tpu.memory_space<vmem>>)
      %mul3A_103 = arith.constant 4096 : i32
      %mul3A_104 = arith.muli %add3A_96, %mul3A_103 : i32
      %add3A_105 = arith.addi %mul3A_104, %mul3A_2 : i32
      %dma_start3A_106 = arith.constant 0 : i32
      %dma_start3A_107 = tpu.memref_slice %arg4[%add3A_105, %dma_start3A_106] : memref<204800x128xf32, #tpu.memory_space<hbm>> -> memref<128x128xf32, #tpu.memory_space<hbm>>
      %dma_start3A_108 = arith.constant 0 : i32
      %dma_start3A_109 = tpu.memref_slice %arg4[%add3A_105, %dma_start3A_108] : memref<204800x128xf32, #tpu.memory_space<hbm>> -> memref<128x128xf32, #tpu.memory_space<hbm>>
      tpu.enqueue_dma source(%arg9 : memref<128x128xf32, #tpu.memory_space<vmem>>) target(%dma_start3A_109 : memref<128x128xf32, #tpu.memory_space<hbm>>) target_semaphore(%arg19 : memref<!tpu.dma_semaphore, #tpu.memory_space<semaphore_mem>>)
      %mul3A_110 = arith.constant 5 : i32
      %mul3A_111 = arith.muli %scan3A_42, %mul3A_110 : i32
      %add3A_112 = arith.constant 4 : i32
      %add3A_113 = arith.addi %mul3A_111, %add3A_112 : i32
      %dma_wait3A_114 = arith.constant 0 : i32
      %dma_wait3A_115 = tpu.memref_slice %arg5[%add3A_113, %dma_wait3A_114] : memref<50x128xi32, #tpu.memory_space<vmem>> -> memref<1x128xi32, #tpu.memory_space<vmem>>
      %dma_wait3A_116 = tpu.memref_squeeze %dma_wait3A_115 : memref<1x128xi32, #tpu.memory_space<vmem>> -> memref<128xi32, #tpu.memory_space<vmem>>
      %dma_wait3A_117 = arith.constant 0 : i32
      %dma_wait3A_118 = arith.constant 0 : i32
      %dma_wait3A_119 = tpu.memref_slice %arg3[%dma_wait3A_117, %dma_wait3A_118] : memref<100000x128xf32, #tpu.memory_space<hbm>> -> memref<100000x128xf32, #tpu.memory_space<hbm>>
      tpu.wait_indirect_dma semaphore(%arg15 : memref<!tpu.dma_semaphore, #tpu.memory_space<semaphore_mem>>) src(%dma_wait3A_119 : memref<100000x128xf32, #tpu.memory_space<hbm>>) dst(%arg10 : memref<128x128xf32, #tpu.memory_space<vmem>>)
      %mul3A_120 = arith.constant 4096 : i32
      %mul3A_121 = arith.muli %add3A_113, %mul3A_120 : i32
      %add3A_122 = arith.addi %mul3A_121, %mul3A_2 : i32
      %dma_start3A_123 = arith.constant 0 : i32
      %dma_start3A_124 = tpu.memref_slice %arg4[%add3A_122, %dma_start3A_123] : memref<204800x128xf32, #tpu.memory_space<hbm>> -> memref<128x128xf32, #tpu.memory_space<hbm>>
      %dma_start3A_125 = arith.constant 0 : i32
      %dma_start3A_126 = tpu.memref_slice %arg4[%add3A_122, %dma_start3A_125] : memref<204800x128xf32, #tpu.memory_space<hbm>> -> memref<128x128xf32, #tpu.memory_space<hbm>>
      tpu.enqueue_dma source(%arg10 : memref<128x128xf32, #tpu.memory_space<vmem>>) target(%dma_start3A_126 : memref<128x128xf32, #tpu.memory_space<hbm>>) target_semaphore(%arg20 : memref<!tpu.dma_semaphore, #tpu.memory_space<semaphore_mem>>)
      %mul3A_127 = arith.constant 5 : i32
      %mul3A_128 = arith.muli %scan3A_42, %mul3A_127 : i32
      %add3A_129 = arith.constant 0 : i32
      %add3A_130 = arith.addi %mul3A_128, %add3A_129 : i32
      %mul3A_131 = arith.constant 4096 : i32
      %mul3A_132 = arith.muli %add3A_130, %mul3A_131 : i32
      %add3A_133 = arith.addi %mul3A_132, %mul3A_2 : i32
      %dma_wait3A_134 = arith.constant 0 : i32
      %dma_wait3A_135 = tpu.memref_slice %arg4[%add3A_133, %dma_wait3A_134] : memref<204800x128xf32, #tpu.memory_space<hbm>> -> memref<128x128xf32, #tpu.memory_space<hbm>>
      %dma_wait3A_136 = arith.constant 0 : i32
      %dma_wait3A_137 = tpu.memref_slice %arg4[%add3A_133, %dma_wait3A_136] : memref<204800x128xf32, #tpu.memory_space<hbm>> -> memref<128x128xf32, #tpu.memory_space<hbm>>
      tpu.wait_dma2 semaphore(%arg16 : memref<!tpu.dma_semaphore, #tpu.memory_space<semaphore_mem>>) src(%arg6 : memref<128x128xf32, #tpu.memory_space<vmem>>) dst(%dma_wait3A_137 : memref<128x128xf32, #tpu.memory_space<hbm>>)
      %lt3A = arith.constant 9 : i32
      %lt3A_138 = arith.cmpi slt, %scan3A_42, %lt3A : i32
      %convert_element_type3A = arith.extui %lt3A_138 : i1 to i32
      %cond3A = arith.constant 0 : i32
      %cond3A_139 = arith.cmpi ne, %convert_element_type3A, %cond3A : i32
      scf.if %cond3A_139 {
        %add3A_204 = arith.constant 5 : i32
        %add3A_205 = arith.addi %add3A_130, %add3A_204 : i32
        %dma_start3A_206 = arith.constant 0 : i32
        %dma_start3A_207 = tpu.memref_slice %arg5[%add3A_205, %dma_start3A_206] : memref<50x128xi32, #tpu.memory_space<vmem>> -> memref<1x128xi32, #tpu.memory_space<vmem>>
        %dma_start3A_208 = tpu.memref_squeeze %dma_start3A_207 : memref<1x128xi32, #tpu.memory_space<vmem>> -> memref<128xi32, #tpu.memory_space<vmem>>
        %dma_start3A_209 = arith.constant 0 : i32
        %dma_start3A_210 = arith.constant 0 : i32
        %dma_start3A_211 = tpu.memref_slice %arg3[%dma_start3A_209, %dma_start3A_210] : memref<100000x128xf32, #tpu.memory_space<hbm>> -> memref<100000x128xf32, #tpu.memory_space<hbm>>
        tpu.enqueue_indirect_dma source(%dma_start3A_211 : memref<100000x128xf32, #tpu.memory_space<hbm>>) target(%arg6 : memref<128x128xf32, #tpu.memory_space<vmem>>) offsets(%dma_start3A_208 : memref<128xi32, #tpu.memory_space<vmem>>) semaphore(%arg11 : memref<!tpu.dma_semaphore, #tpu.memory_space<semaphore_mem>>)
      } else {
      }
      %mul3A_140 = arith.constant 5 : i32
      %mul3A_141 = arith.muli %scan3A_42, %mul3A_140 : i32
      %add3A_142 = arith.constant 1 : i32
      %add3A_143 = arith.addi %mul3A_141, %add3A_142 : i32
      %mul3A_144 = arith.constant 4096 : i32
      %mul3A_145 = arith.muli %add3A_143, %mul3A_144 : i32
      %add3A_146 = arith.addi %mul3A_145, %mul3A_2 : i32
      %dma_wait3A_147 = arith.constant 0 : i32
      %dma_wait3A_148 = tpu.memref_slice %arg4[%add3A_146, %dma_wait3A_147] : memref<204800x128xf32, #tpu.memory_space<hbm>> -> memref<128x128xf32, #tpu.memory_space<hbm>>
      %dma_wait3A_149 = arith.constant 0 : i32
      %dma_wait3A_150 = tpu.memref_slice %arg4[%add3A_146, %dma_wait3A_149] : memref<204800x128xf32, #tpu.memory_space<hbm>> -> memref<128x128xf32, #tpu.memory_space<hbm>>
      tpu.wait_dma2 semaphore(%arg17 : memref<!tpu.dma_semaphore, #tpu.memory_space<semaphore_mem>>) src(%arg7 : memref<128x128xf32, #tpu.memory_space<vmem>>) dst(%dma_wait3A_150 : memref<128x128xf32, #tpu.memory_space<hbm>>)
      %lt3A_151 = arith.constant 9 : i32
      %lt3A_152 = arith.cmpi slt, %scan3A_42, %lt3A_151 : i32
      %convert_element_type3A_153 = arith.extui %lt3A_152 : i1 to i32
      %cond3A_154 = arith.constant 0 : i32
      %cond3A_155 = arith.cmpi ne, %convert_element_type3A_153, %cond3A_154 : i32
      scf.if %cond3A_155 {
        %add3A_204 = arith.constant 5 : i32
        %add3A_205 = arith.addi %add3A_143, %add3A_204 : i32
        %dma_start3A_206 = arith.constant 0 : i32
        %dma_start3A_207 = tpu.memref_slice %arg5[%add3A_205, %dma_start3A_206] : memref<50x128xi32, #tpu.memory_space<vmem>> -> memref<1x128xi32, #tpu.memory_space<vmem>>
        %dma_start3A_208 = tpu.memref_squeeze %dma_start3A_207 : memref<1x128xi32, #tpu.memory_space<vmem>> -> memref<128xi32, #tpu.memory_space<vmem>>
        %dma_start3A_209 = arith.constant 0 : i32
        %dma_start3A_210 = arith.constant 0 : i32
        %dma_start3A_211 = tpu.memref_slice %arg3[%dma_start3A_209, %dma_start3A_210] : memref<100000x128xf32, #tpu.memory_space<hbm>> -> memref<100000x128xf32, #tpu.memory_space<hbm>>
        tpu.enqueue_indirect_dma source(%dma_start3A_211 : memref<100000x128xf32, #tpu.memory_space<hbm>>) target(%arg7 : memref<128x128xf32, #tpu.memory_space<vmem>>) offsets(%dma_start3A_208 : memref<128xi32, #tpu.memory_space<vmem>>) semaphore(%arg12 : memref<!tpu.dma_semaphore, #tpu.memory_space<semaphore_mem>>)
      } else {
      }
      %mul3A_156 = arith.constant 5 : i32
      %mul3A_157 = arith.muli %scan3A_42, %mul3A_156 : i32
      %add3A_158 = arith.constant 2 : i32
      %add3A_159 = arith.addi %mul3A_157, %add3A_158 : i32
      %mul3A_160 = arith.constant 4096 : i32
      %mul3A_161 = arith.muli %add3A_159, %mul3A_160 : i32
      %add3A_162 = arith.addi %mul3A_161, %mul3A_2 : i32
      %dma_wait3A_163 = arith.constant 0 : i32
      %dma_wait3A_164 = tpu.memref_slice %arg4[%add3A_162, %dma_wait3A_163] : memref<204800x128xf32, #tpu.memory_space<hbm>> -> memref<128x128xf32, #tpu.memory_space<hbm>>
      %dma_wait3A_165 = arith.constant 0 : i32
      %dma_wait3A_166 = tpu.memref_slice %arg4[%add3A_162, %dma_wait3A_165] : memref<204800x128xf32, #tpu.memory_space<hbm>> -> memref<128x128xf32, #tpu.memory_space<hbm>>
      tpu.wait_dma2 semaphore(%arg18 : memref<!tpu.dma_semaphore, #tpu.memory_space<semaphore_mem>>) src(%arg8 : memref<128x128xf32, #tpu.memory_space<vmem>>) dst(%dma_wait3A_166 : memref<128x128xf32, #tpu.memory_space<hbm>>)
      %lt3A_167 = arith.constant 9 : i32
      %lt3A_168 = arith.cmpi slt, %scan3A_42, %lt3A_167 : i32
      %convert_element_type3A_169 = arith.extui %lt3A_168 : i1 to i32
      %cond3A_170 = arith.constant 0 : i32
      %cond3A_171 = arith.cmpi ne, %convert_element_type3A_169, %cond3A_170 : i32
      scf.if %cond3A_171 {
        %add3A_204 = arith.constant 5 : i32
        %add3A_205 = arith.addi %add3A_159, %add3A_204 : i32
        %dma_start3A_206 = arith.constant 0 : i32
        %dma_start3A_207 = tpu.memref_slice %arg5[%add3A_205, %dma_start3A_206] : memref<50x128xi32, #tpu.memory_space<vmem>> -> memref<1x128xi32, #tpu.memory_space<vmem>>
        %dma_start3A_208 = tpu.memref_squeeze %dma_start3A_207 : memref<1x128xi32, #tpu.memory_space<vmem>> -> memref<128xi32, #tpu.memory_space<vmem>>
        %dma_start3A_209 = arith.constant 0 : i32
        %dma_start3A_210 = arith.constant 0 : i32
        %dma_start3A_211 = tpu.memref_slice %arg3[%dma_start3A_209, %dma_start3A_210] : memref<100000x128xf32, #tpu.memory_space<hbm>> -> memref<100000x128xf32, #tpu.memory_space<hbm>>
        tpu.enqueue_indirect_dma source(%dma_start3A_211 : memref<100000x128xf32, #tpu.memory_space<hbm>>) target(%arg8 : memref<128x128xf32, #tpu.memory_space<vmem>>) offsets(%dma_start3A_208 : memref<128xi32, #tpu.memory_space<vmem>>) semaphore(%arg13 : memref<!tpu.dma_semaphore, #tpu.memory_space<semaphore_mem>>)
      } else {
      }
      %mul3A_172 = arith.constant 5 : i32
      %mul3A_173 = arith.muli %scan3A_42, %mul3A_172 : i32
      %add3A_174 = arith.constant 3 : i32
      %add3A_175 = arith.addi %mul3A_173, %add3A_174 : i32
      %mul3A_176 = arith.constant 4096 : i32
      %mul3A_177 = arith.muli %add3A_175, %mul3A_176 : i32
      %add3A_178 = arith.addi %mul3A_177, %mul3A_2 : i32
      %dma_wait3A_179 = arith.constant 0 : i32
      %dma_wait3A_180 = tpu.memref_slice %arg4[%add3A_178, %dma_wait3A_179] : memref<204800x128xf32, #tpu.memory_space<hbm>> -> memref<128x128xf32, #tpu.memory_space<hbm>>
      %dma_wait3A_181 = arith.constant 0 : i32
      %dma_wait3A_182 = tpu.memref_slice %arg4[%add3A_178, %dma_wait3A_181] : memref<204800x128xf32, #tpu.memory_space<hbm>> -> memref<128x128xf32, #tpu.memory_space<hbm>>
      tpu.wait_dma2 semaphore(%arg19 : memref<!tpu.dma_semaphore, #tpu.memory_space<semaphore_mem>>) src(%arg9 : memref<128x128xf32, #tpu.memory_space<vmem>>) dst(%dma_wait3A_182 : memref<128x128xf32, #tpu.memory_space<hbm>>)
      %lt3A_183 = arith.constant 9 : i32
      %lt3A_184 = arith.cmpi slt, %scan3A_42, %lt3A_183 : i32
      %convert_element_type3A_185 = arith.extui %lt3A_184 : i1 to i32
      %cond3A_186 = arith.constant 0 : i32
      %cond3A_187 = arith.cmpi ne, %convert_element_type3A_185, %cond3A_186 : i32
      scf.if %cond3A_187 {
        %add3A_204 = arith.constant 5 : i32
        %add3A_205 = arith.addi %add3A_175, %add3A_204 : i32
        %dma_start3A_206 = arith.constant 0 : i32
        %dma_start3A_207 = tpu.memref_slice %arg5[%add3A_205, %dma_start3A_206] : memref<50x128xi32, #tpu.memory_space<vmem>> -> memref<1x128xi32, #tpu.memory_space<vmem>>
        %dma_start3A_208 = tpu.memref_squeeze %dma_start3A_207 : memref<1x128xi32, #tpu.memory_space<vmem>> -> memref<128xi32, #tpu.memory_space<vmem>>
        %dma_start3A_209 = arith.constant 0 : i32
        %dma_start3A_210 = arith.constant 0 : i32
        %dma_start3A_211 = tpu.memref_slice %arg3[%dma_start3A_209, %dma_start3A_210] : memref<100000x128xf32, #tpu.memory_space<hbm>> -> memref<100000x128xf32, #tpu.memory_space<hbm>>
        tpu.enqueue_indirect_dma source(%dma_start3A_211 : memref<100000x128xf32, #tpu.memory_space<hbm>>) target(%arg9 : memref<128x128xf32, #tpu.memory_space<vmem>>) offsets(%dma_start3A_208 : memref<128xi32, #tpu.memory_space<vmem>>) semaphore(%arg14 : memref<!tpu.dma_semaphore, #tpu.memory_space<semaphore_mem>>)
      } else {
      }
      %mul3A_188 = arith.constant 5 : i32
      %mul3A_189 = arith.muli %scan3A_42, %mul3A_188 : i32
      %add3A_190 = arith.constant 4 : i32
      %add3A_191 = arith.addi %mul3A_189, %add3A_190 : i32
      %mul3A_192 = arith.constant 4096 : i32
      %mul3A_193 = arith.muli %add3A_191, %mul3A_192 : i32
      %add3A_194 = arith.addi %mul3A_193, %mul3A_2 : i32
      %dma_wait3A_195 = arith.constant 0 : i32
      %dma_wait3A_196 = tpu.memref_slice %arg4[%add3A_194, %dma_wait3A_195] : memref<204800x128xf32, #tpu.memory_space<hbm>> -> memref<128x128xf32, #tpu.memory_space<hbm>>
      %dma_wait3A_197 = arith.constant 0 : i32
      %dma_wait3A_198 = tpu.memref_slice %arg4[%add3A_194, %dma_wait3A_197] : memref<204800x128xf32, #tpu.memory_space<hbm>> -> memref<128x128xf32, #tpu.memory_space<hbm>>
      tpu.wait_dma2 semaphore(%arg20 : memref<!tpu.dma_semaphore, #tpu.memory_space<semaphore_mem>>) src(%arg10 : memref<128x128xf32, #tpu.memory_space<vmem>>) dst(%dma_wait3A_198 : memref<128x128xf32, #tpu.memory_space<hbm>>)
      %lt3A_199 = arith.constant 9 : i32
      %lt3A_200 = arith.cmpi slt, %scan3A_42, %lt3A_199 : i32
      %convert_element_type3A_201 = arith.extui %lt3A_200 : i1 to i32
      %cond3A_202 = arith.constant 0 : i32
      %cond3A_203 = arith.cmpi ne, %convert_element_type3A_201, %cond3A_202 : i32
      scf.if %cond3A_203 {
        %add3A_204 = arith.constant 5 : i32
        %add3A_205 = arith.addi %add3A_191, %add3A_204 : i32
        %dma_start3A_206 = arith.constant 0 : i32
        %dma_start3A_207 = tpu.memref_slice %arg5[%add3A_205, %dma_start3A_206] : memref<50x128xi32, #tpu.memory_space<vmem>> -> memref<1x128xi32, #tpu.memory_space<vmem>>
        %dma_start3A_208 = tpu.memref_squeeze %dma_start3A_207 : memref<1x128xi32, #tpu.memory_space<vmem>> -> memref<128xi32, #tpu.memory_space<vmem>>
        %dma_start3A_209 = arith.constant 0 : i32
        %dma_start3A_210 = arith.constant 0 : i32
        %dma_start3A_211 = tpu.memref_slice %arg3[%dma_start3A_209, %dma_start3A_210] : memref<100000x128xf32, #tpu.memory_space<hbm>> -> memref<100000x128xf32, #tpu.memory_space<hbm>>
        tpu.enqueue_indirect_dma source(%dma_start3A_211 : memref<100000x128xf32, #tpu.memory_space<hbm>>) target(%arg10 : memref<128x128xf32, #tpu.memory_space<vmem>>) offsets(%dma_start3A_208 : memref<128xi32, #tpu.memory_space<vmem>>) semaphore(%arg15 : memref<!tpu.dma_semaphore, #tpu.memory_space<semaphore_mem>>)
      } else {
      }
    }
    %scan3A_41 = arith.constant 10 : i32
    return
  }
}

</mosaic_0001>

<sc_bundles>
// kernel: kernel.3.cloned.1.call-start
scs
__scs_entry_jumppad:
0x0: {  	(pc) =	sbr.rel $0x88, $3  }
0x1: {  	(tag) =	ssettag $0x0;
	lr =	simm.s32 $0x1  }
0x2: {  	[smem:$0x3F9F] =	sst lr;
	_ =	strace $0xD0000000  }
0x3: {  	_ = 	snop  }
0x4: {  	_ = 	snop  }
0x5: {  	_ = 	snop  }
0x6: {  	_ = 	snop  }
0x7: {  	_ = 	snop  }
__scs_overlays_trampoline_lowered:
0x8: {  	[smem:$0x3FAE] =	sst s0  }
0x9: {  	[smem:$0x3FAF] =	sst s1  }
0xa: {  	[smem:$0x3FB0] =	sst s2  }
0xb: {  	[smem:$0x3FB1] =	sst s3  }
0xc: {  	[smem:$0x3FB2] =	sst s4  }
0xd: {  	[smem:$0x3FB3] =	sst s5  }
0xe: {  	[smem:$0x3FB4] =	sst s6  }
0xf: {  	[smem:$0x3FB5] =	sst s7  }
0x10: {  	[smem:$0x3FB6] =	sst s8  }
0x11: {  	[smem:$0x3FB7] =	sst s9;
	s0 =	simm.s32 @!p0 $0x0  }
0x12: {  	s1 =	sld [smem:$0x3F9D];
	s0 =	simm.s32 @p0 $0x1  }
0x13: {  	[smem:$0x3FB8] =	sst s0;
	s0 =	simm.s32 @!p1 $0x0  }
0x14: {  	s2 =	sld [smem:$0x3F9C];
	s0 =	simm.s32 @p1 $0x1  }
0x15: {  	[smem:$0x3FB9] =	sst s0;
	s0 =	simm.s32 @!p2 $0x0  }
0x16: {  	s3 =	sld [smem:$0x3FDB];
	s0 =	simm.s32 @p2 $0x1  }
0x17: {  	s4 =	simm.s32 $0x1BF5;
	[smem:$0x3FBB] =	sst s0  }
0x18: {  	s0 =	sld [smem:$0x3F9E];
	_ =	swait.ge [sflag:s4], $0x0  }
0x19: {  	s7 =	sld [smem:$0x3F9F]  }
0x1a: {  	s8 =	sadd.s32 $0xFFFFE003, lr  }
0x1b: {  	s9 =	sadd.s32 $0xFFFFFEF7, lr;
	s5 =	simm.s32 $0xFFFFFFFF;
	p2 =	slt.u32 s8, $0xFFFFF086  }
0x1c: {  	p1 =	slt.u32 s9, $0xF7A;
	s5 =	simm.s32 @!p2 $0x0  }
0x1d: {  	s5 =	simm.s32 @p1 $0x1;
	p0 =	seq.s32 s7, s2  }
0x1e: {  	s7 =	smul.u32 @!p0 $0xF7A, s2;
	p2 =	seq.s32 @!p0 s5, $0x0  }
0x1f: {  	s9 =	smul.u32 $0xF7A, s1;
	s8 =	simm.s32 @!p0 $0x1BF5;
	p2 =	por !p2, p0  }
0x20: {  	[sflag:s8] =	ssyncset.s32 @!p0 $0xFFFFF086;
	s6 =	sadd.s32 @!p0 s3, s7;
	s7 =	simm.s32 @!p0 $0x108  }
0x21: {  	s3 =	sadd.s32 s3, s9;
	s6 =	sadd.s32 @!p0 $0x88, s6;
	s7 =	simm.s32 @p2 $0x1082  }
0x22: {  	[simem:s7], [sflag:s8] =	dma.local @!p0 [hbm:s6], $0xF7A  }
0x23: {  	s9 =	sor.u32 $0xD0000000, s2;
	s6 =	simm.s32 $0x108;
	_ =	swait.ge @!p0 [sflag:s8], $0x0  }
0x24: {  	s3 =	sadd.s32 $0x88, s3;
	s6 =	simm.s32 @!p1 $0x1082;
	[sflag:s4] =	ssyncset.s32 $0xFFFFF086  }
0x25: {  	[simem:s6], [sflag:s4] =	dma.local [hbm:s3], $0xF7A  }
0x26: {  	[smem:$0x3F9F] =	sst s1;
	(tag) =	ssettag s2;
	_ =	strace s9  }
0x27: {  	s1 =	sld [smem:$0x3FAF]  }
0x28: {  	s2 =	sld [smem:$0x3FB0]  }
0x29: {  	s4 =	sld [smem:$0x3FB2]  }
0x2a: {  	p0 =	seq.s32 s5, $0x0;
	s5 =	sld [smem:$0x3FB3]  }
0x2b: {  	s6 =	sld [smem:$0x3FB4]  }
0x2c: {  	s7 =	sld [smem:$0x3FB5]  }
0x2d: {  	s3 =	simm.s32 $0x108;
	s8 =	sld [smem:$0x3FB6]  }
0x2e: {  	s3 =	simm.s32 @!p0 $0x1082;
	s9 =	sld [smem:$0x3FB7]  }
0x2f: {  	lr =	sadd.s32 s0, s3;
	s0 =	sld [smem:$0x3FAE]  }
0x30: {  	s3 =	sld [smem:$0x3FB1]  }
0x31: {  	[smem:$0x3FBA] =	sst s10  }
0x32: {  	s10 =	sld [smem:$0x3FB8];
	_ =	sdelay $0x3  }
0x33: {  	p0 =	seq.s32 s10, $0x1;
	s10 =	sld [smem:$0x3FBA];
	_ =	sdelay $0x3  }
0x34: {  	[smem:$0x3FBA] =	sst s10  }
0x35: {  	s10 =	sld [smem:$0x3FB9];
	_ =	sdelay $0x3  }
0x36: {  	p1 =	seq.s32 s10, $0x1;
	s10 =	sld [smem:$0x3FBA];
	_ =	sdelay $0x3  }
0x37: {  	[smem:$0x3FBA] =	sst s10  }
0x38: {  	s10 =	sld [smem:$0x3FBB]  }
0x39: {  	_ = 	snop;
	(pc) =	sbr.ind lr, $3  }
0x3a: {  	_ = 	snop  }
0x3b: {  	_ = 	snop  }
0x3c: {  	p2 =	seq.s32 s10, $0x1;
	s10 =	sld [smem:$0x3FBA]  }
0x3d: {  	_ =	shalt  }
0x3e: {  	_ =	shalt  }
0x3f: {  	_ =	shalt  }
0x40: {  	_ =	shalt  }
0x41: {  	_ =	shalt  }
0x42: {  	_ =	shalt  }
0x43: {  	_ =	shalt  }
0x44: {  	_ =	shalt  }
0x45: {  	_ =	shalt  }
0x46: {  	_ =	shalt  }
0x47: {  	_ =	shalt  }
0x48: {  	_ =	shalt  }
0x49: {  	_ =	shalt  }
0x4a: {  	_ =	shalt  }
0x4b: {  	_ =	shalt  }
0x4c: {  	_ =	shalt  }
0x4d: {  	_ =	shalt  }
0x4e: {  	_ =	shalt  }
0x4f: {  	_ =	shalt  }
0x50: {  	_ =	shalt  }
0x51: {  	_ =	shalt  }
0x52: {  	_ =	shalt  }
0x53: {  	_ =	shalt  }
0x54: {  	_ =	shalt  }
0x55: {  	_ =	shalt  }
0x56: {  	_ =	shalt  }
0x57: {  	_ =	shalt  }
0x58: {  	_ =	shalt  }
0x59: {  	_ =	shalt  }
0x5a: {  	_ =	shalt  }
0x5b: {  	_ =	shalt  }
0x5c: {  	_ =	shalt  }
0x5d: {  	_ =	shalt  }
0x5e: {  	_ =	shalt  }
0x5f: {  	_ =	shalt  }
0x60: {  	_ =	shalt  }
0x61: {  	_ =	shalt  }
0x62: {  	_ =	shalt  }
0x63: {  	_ =	shalt  }
0x64: {  	_ =	shalt  }
0x65: {  	_ =	shalt  }
0x66: {  	_ =	shalt  }
0x67: {  	_ =	shalt  }
0x68: {  	_ =	shalt  }
0x69: {  	_ =	shalt  }
0x6a: {  	_ =	shalt  }
0x6b: {  	_ =	shalt  }
0x6c: {  	_ =	shalt  }
0x6d: {  	_ =	shalt  }
0x6e: {  	_ =	shalt  }
0x6f: {  	_ =	shalt  }
0x70: {  	_ =	shalt  }
0x71: {  	_ =	shalt  }
0x72: {  	_ =	shalt  }
0x73: {  	_ =	shalt  }
0x74: {  	_ =	shalt  }
0x75: {  	_ =	shalt  }
0x76: {  	_ =	shalt  }
0x77: {  	_ =	shalt  }
0x78: {  	_ =	shalt  }
0x79: {  	_ =	shalt  }
0x7a: {  	_ =	shalt  }
0x7b: {  	_ =	shalt  }
0x7c: {  	_ =	shalt  }
0x7d: {  	_ =	shalt  }
0x7e: {  	_ =	shalt  }
0x7f: {  	_ =	shalt  }
0x80: {  	_ =	shalt  }
0x81: {  	_ =	shalt  }
0x82: {  	_ =	shalt  }
0x83: {  	_ =	shalt  }
0x84: {  	_ =	shalt  }
0x85: {  	_ =	shalt  }
0x86: {  	_ =	shalt  }
0x87: {  	_ =	shalt  }
.Lfunc_end0:
.L_simem_size_0:
called_computation_lowered:
.L_overlay_start_0:
0x88: {  	s2 =	sld [smem:$0x3FD9]  }
0x89: {  	s3 =	sld [smem:$0x3FFE];
	_ =	sdelay $0x1  }
0x8a: {  	s1 =	srdreg.scid  }
0x8b: {  	s0 =	sand.u32 $0x1, s1  }
0x8c: {  	s18 =	sshll.u32 s0, $0xA;
	s2 =	sadd.s32 s3, s2  }
0x8d: {  	s2 =	sadd.s32 s2, s18  }
0x8e: {  	[smem:$0x3FC6] =	sst s2  }
0x8f: {  	_ = 	snop  }
0x90: {  	s2 =	sld [smem:$0x3FC9]  }
0x91: {  	s19 =	sld [smem:$0x3FC8]  }
0x92: {  	s4 =	sld [smem:$0x3FD0];
	(tm) =	ssettm $0x1  }
0x93: {  	s5 =	sld [smem:$0x3FFB];
	_ =	sdelay $0x3  }
0x94: {  	_ =	strace s5  }
0x95: {  	s5 =	sld [smem:$0x3FFC];
	_ =	sdelay $0x3  }
0x96: {  	_ =	strace s5  }
0x97: {  	s5 =	sld [smem:$0x3FFD];
	_ =	sdelay $0x3  }
0x98: {  	_ =	strace s5  }
0x99: {  	_ =	strace $0x8FFFFFFF  }
0x9a: {  	s20 =	sld [smem:$0x3FDB];
	_ =	sdelay $0x1  }
0x9b: {  	s6 =	simm.s32 $_scs_section_size  }
0x9c: {  	s7 =	simm.s32 $_size__tile_overlayer_lowered;
	s8 =	simm.s32 $_tile_overlayer_lowered  }
0x9d: {  	s23 =	simm.s32 $0x1BFF;
	s22 =	sshll.u32 s8, $0x1;
	s5 =	sadd.s32 s6, s20  }
0x9e: {  	s9 =	simm.s32 $0x0;
	s21 =	sshll.u32 s7, $0x1;
	s7 =	sadd.s32 s22, s5  }
0x9f: {  	[timem:s9], [sflag:s23] =	dma.local [hbm:s7], s21  }
0xa0: {  	_ =	swait.ge [sflag:s23], s21  }
0xa1: {  	s6 =	ssub.s32 $0x0, s21;
	[sflag:s23] =	ssyncset.done $0x0  }
0xa2: {  	[sflag:s23] =	ssyncadd.s32 s6;
	_ =	sdelay $0x1  }
0xa3: {  	s24 =	simm.s32 $0x1B8B  }
0xa4: {  	_ =	swait.ge [sflag:s24], $0x1  }
0xa5: {  	[sflag:s24] =	ssyncset.done $0x0  }
0xa6: {  	s25 =	simm.s32 $0x1B8E;
	[sflag:s24] =	ssyncadd.s32 $0xFFFFFFFF  }
0xa7: {  	s26 =	simm.s32 $execute0_lowered;
	[smem:$0x3FD2] =	sst s25  }
0xa8: {  	s6 =	sshll.u32 s26, $0x1;
	_ =	strace $0x80000046;
	[dreg:$0x1] =	wrdreg $0xFFFFFFFF  }
0xa9: {  	s28 =	simm.s32 $_size_execute0_lowered;
	s5 =	sadd.s32 s5, s6;
	[dreg:$0x0] =	wrdreg $0x0  }
0xaa: {  	s6 =	sshll.u32 s28, $0x1;
	[dreg:$0x2] =	wrdreg s5  }
0xab: {  	[dreg:$0x3] =	wrdreg s6  }
0xac: {  	[dreg:$0x4] =	wrdreg $0xC0  }
0xad: {  	_ =	task [dreg:s9], $0x5FFFF  }
0xae: {  	[dreg:$0x1] =	wrdreg $0xFFFFFFFF  }
0xaf: {  	[dreg:$0x0] =	wrdreg $0x60  }
0xb0: {  	[dreg:$0x2] =	wrdreg s2  }
0xb1: {  	[dreg:$0x3] =	wrdreg s19  }
0xb2: {  	[dreg:$0x4] =	wrdreg s4  }
0xb3: {  	[dreg:$0x5] =	wrdreg $0x9  }
0xb4: {  	_ =	task.clear_ibuf [dreg:s9], $0x6FFFF;
	_ =	strace $0x90000046  }
0xb5: {  	s29 =	simm.s32 $0x9;
	_ =	strace $0x80000048  }
0xb6: {  	_ =	swait.ge [sflag:s29], $0x1  }
0xb7: {  	[sflag:s29] =	ssyncadd.s32 $0xFFFFFFFF  }
0xb8: {  	_ =	strace $0x90000048  }
0xb9: {  	_ =	sfence  }
0xba: {  	s30 =	sld [smem:$0x0];
	_ =	sdelay $0x2  }
0xbb: {  	s31 =	sshll.u32 s1, $0xD;
	s1 =	sshrl.u32 s1, $0x2  }
0xbc: {  	s3 =	sand.u32 $0x4000, s31;
	s1 =	sadd.s32 s1, s30  }
0xbd: {  	s0 =	sor.u32 s3, s0;
	s1 =	sshll.u32 s1, $0x11  }
0xbe: {  	s0 =	sor.u32 s1, s0  }
0xbf: {  	s0 =	sadd.s32 $0x8F2B, s0  }
0xc0: {  	[sflag:s0] =	ssyncadd.remote.s32 $0x1  }
0xc1: {  	_ =	sfence.sel $0xFFFF  }
0xc2: {  	[dreg:$0x0] =	wrdreg $0xFFFFFFFF;
	(pc) =	sbr.abs _section_cstart, $3  }
0xc3: {  	[dreg:$0x1] =	wrdreg $0xFFFFFFFF  }
0xc4: {  	_ =	task.clear_ibuf [dreg:s9], $0x2FFFF;
	_ =	strace $0x9FFFFFFF  }
0xc5: {  	(tm) =	ssettm $0x7FFFFFFF  }
tec
execute0_lowered:
.L_overlay_start_1:
0x0: {  	(tag) =	ssettag $0x1  }
0x1: {  	s0 =	rddreg [dreg:$0x0]  }
0x2: {  	s1 =	rddreg [dreg:$0x1]  }
0x3: {  	s3 =	rddreg [dreg:$0x2];
	s2 =	simm.s32 $0x0;
	s4 =	srdreg.scid  }
0x4: {  	s9 =	stileid.u32;
	s11 =	simm.s32 $0xB;
	s12 =	simm.s32 $0x80  }
0x5: {  	s13 =	simm.s32 $0x1C00;
	s14 =	simm.s32 $0x5C00;
	s15 =	simm.s32 $0x100  }
0x6: {  	s16 =	simm.s32 $0x9C00;
	s17 =	simm.s32 $0x180;
	s18 =	simm.s32 $0xDC00  }
0x7: {  	s19 =	simm.s32 $0x200;
	s20 =	simm.s32 $0x11C00;
	s21 =	simm.s32 $0x1  }
0x8: {  	s22 =	simm.s32 $0x2;
	s28 =	simm.s32 $0x7;
	s29 =	simm.s32 $0x8  }
0x9: {  	s30 =	simm.s32 $0x9;
	s31 =	simm.s32 $0xA;
	[smem:$0x7FF] =	sst s2  }
0xa: {  	s5 =	sand.u32 $0x1, s4;
	s7 =	sshll.u32 s9, $0x8;
	s24 =	sshll.u32 s9, $0xC  }
0xb: {  	_ =	strace $0x80000047;
	s4 =	ssub.s32 $0x2, s5;
	s8 =	sshll.u32 s5, $0x7  }
.Ltmp0:
0xc: {  	s25 =	sadd.s32 s24, s3;
	s26 =	sshll.u32 s5, $0xB;
	(pc) =	sbr.rel .LBB2_1-.Ltmp0, $4  }
0xd: {  	s24 =	simm.s32 $0x4;
	s6 =	sshrl.u32 s4, $0x1;
	s23 =	sor.u32 s8, s7  }
0xe: {  	s3 =	sadd.s32 s26, s25;
	s25 =	simm.s32 $0x5;
	s26 =	simm.s32 $0x6  }
0xf: {  	s6 =	ssub.s32 s4, s6;
	s4 =	sadd.s32 s0, s23;
	s23 =	simm.s32 $0x3  }
0x10: {  	s0 =	simm.s32 $0x0;
	s5 =	sadd.s32 $0x6000, s4;
	s6 =	smax.u32 s6, $0x1  }
.LBB2_4:
0x11: {  	_ =	swait.ge [sflag:s28], $0x4000  }
0x12: {  	[sflag:s28] =	ssyncset.done $0x0  }
0x13: {  	[sflag:s28] =	ssyncadd.s32 $0xFFFFC000  }
0x14: {  	_ =	swait.ge [sflag:s29], $0x4000  }
0x15: {  	[sflag:s29] =	ssyncset.done $0x0  }
0x16: {  	s0 =	sadd.s32 $0x1, s0;
	[sflag:s29] =	ssyncadd.s32 $0xFFFFC000  }
0x17: {  	p0 =	sne.s32 s0, s6;
	_ =	swait.ge [sflag:s30], $0x4000  }
.Ltmp1:
0x18: {  	[sflag:s30] =	ssyncset.done $0x0;
	(pc) =	sbr.rel @!p0 .LBB2_5-.Ltmp1, $4  }
0x19: {  	[sflag:s30] =	ssyncadd.s32 $0xFFFFC000  }
0x1a: {  	_ =	swait.ge [sflag:s31], $0x4000  }
0x1b: {  	[sflag:s31] =	ssyncset.done $0x0  }
0x1c: {  	[sflag:s31] =	ssyncadd.s32 $0xFFFFC000  }
.LBB2_1:
0x1d: {  	s7 =	simm.s32 $0x400;
	s8 =	simm.s32 $0x8000  }
0x1e: {  	[tilespmem:s2], [sflag:$0xB] =	stream.strided.gather [hbm4b:s4+s7], $0x1800, s8, s7, $0x38;
	[tilespmem:$0x15C00] =	vst v63  }
0x1f: {  	s10 =	simm.s32 $0x1800  }
0x20: {  	[tilespmem:s10], [sflag:$0xB] =	stream.linear.gather [hbm4b:s5+s2], $0x100, $0x38;
	[tilespmem:$0x15C00] =	vst v63  }
0x21: {  	_ =	swait.ge [sflag:s11], $0x1900  }
0x22: {  	[sflag:s11] =	ssyncset.done $0x0  }
0x23: {  	[sflag:s11] =	ssyncadd.s32 $0xFFFFE700  }
0x24: {  	[tilespmem:s13], [sflag:$0x1] =	stream.indirect.gather [hbm4b:s1+s12], $0x80, s2, s12, $0xb8;
	[tilespmem:$0x15C00] =	vst v63  }
0x25: {  	_ = 	snop  }
0x26: {  	[tilespmem:s14], [sflag:$0x2] =	stream.indirect.gather [hbm4b:s1+s12], $0x80, s12, s12, $0xb8;
	[tilespmem:$0x15C00] =	vst v63  }
0x27: {  	_ = 	snop  }
0x28: {  	[tilespmem:s16], [sflag:$0x3] =	stream.indirect.gather [hbm4b:s1+s12], $0x80, s15, s12, $0xb8;
	[tilespmem:$0x15C00] =	vst v63  }
0x29: {  	_ = 	snop  }
0x2a: {  	[tilespmem:s18], [sflag:$0x4] =	stream.indirect.gather [hbm4b:s1+s12], $0x80, s17, s12, $0xb8;
	[tilespmem:$0x15C00] =	vst v63  }
0x2b: {  	s7 =	smov.u32 s3;
	s8 =	simm.s32 $0x0  }
0x2c: {  	[tilespmem:s20], [sflag:$0x5] =	stream.indirect.gather [hbm4b:s1+s12], $0x80, s19, s12, $0xb8;
	[tilespmem:$0x15C00] =	vst v63  }
.LBB2_2:
0x2d: {  	_ =	swait.ge [sflag:s21], $0x4000  }
0x2e: {  	[sflag:s21] =	ssyncset.done $0x0  }
0x2f: {  	[sflag:s21] =	ssyncadd.s32 $0xFFFFC000  }
0x30: {  	[hbm4b:s7+s2] =	stream.linear.scatter [tilespmem:s13], [sflag:$0x6], $0x4000, $0x38;
	[tilespmem:$0x15C00] =	vst v63  }
0x31: {  	_ =	swait.ge [sflag:s22], $0x4000  }
0x32: {  	[sflag:s22] =	ssyncset.done $0x0  }
0x33: {  	s9 =	sadd.s32 $0x10000, s7;
	[sflag:s22] =	ssyncadd.s32 $0xFFFFC000  }
0x34: {  	[hbm4b:s9+s2] =	stream.linear.scatter [tilespmem:s14], [sflag:$0x7], $0x4000, $0x38;
	[tilespmem:$0x15C00] =	vst v63  }
0x35: {  	_ =	swait.ge [sflag:s23], $0x4000  }
0x36: {  	[sflag:s23] =	ssyncset.done $0x0  }
0x37: {  	s10 =	sadd.s32 $0x20000, s7;
	[sflag:s23] =	ssyncadd.s32 $0xFFFFC000  }
0x38: {  	[hbm4b:s10+s2] =	stream.linear.scatter [tilespmem:s16], [sflag:$0x8], $0x4000, $0x38;
	[tilespmem:$0x15C00] =	vst v63  }
0x39: {  	_ =	swait.ge [sflag:s24], $0x4000  }
0x3a: {  	[sflag:s24] =	ssyncset.done $0x0  }
0x3b: {  	s10 =	sadd.s32 $0x30000, s7;
	[sflag:s24] =	ssyncadd.s32 $0xFFFFC000  }
0x3c: {  	[hbm4b:s10+s2] =	stream.linear.scatter [tilespmem:s18], [sflag:$0x9], $0x4000, $0x38;
	[tilespmem:$0x15C00] =	vst v63  }
0x3d: {  	_ =	swait.ge [sflag:s25], $0x4000  }
0x3e: {  	p0 =	seq.s32 s8, $0x5A00;
	[sflag:s25] =	ssyncset.done $0x0  }
.Ltmp2:
0x3f: {  	s10 =	sadd.s32 $0x40000, s7;
	[sflag:s25] =	ssyncadd.s32 $0xFFFFC000;
	(pc) =	sbr.rel @p0 .LBB2_4-.Ltmp2, $4  }
0x40: {  	[hbm4b:s10+s2] =	stream.linear.scatter [tilespmem:s20], [sflag:$0xA], $0x4000, $0x38;
	[tilespmem:$0x15C00] =	vst v63  }
0x41: {  	_ =	swait.ge [sflag:s26], $0x4000  }
0x42: {  	[sflag:s26] =	ssyncset.done $0x0  }
0x43: {  	[sflag:s26] =	ssyncadd.s32 $0xFFFFC000  }
0x44: {  	s9 =	sshra.s32 s8, $0x2  }
0x45: {  	s10 =	sadd.s32 $0x280, s9  }
0x46: {  	[tilespmem:s13], [sflag:$0x1] =	stream.indirect.gather [hbm4b:s1+s12], $0x80, s10, s12, $0xb8;
	[tilespmem:$0x15C00] =	vst v63  }
0x47: {  	_ =	swait.ge [sflag:s28], $0x4000  }
0x48: {  	[sflag:s28] =	ssyncset.done $0x0  }
0x49: {  	s10 =	sadd.s32 $0x300, s9;
	[sflag:s28] =	ssyncadd.s32 $0xFFFFC000  }
0x4a: {  	[tilespmem:s14], [sflag:$0x2] =	stream.indirect.gather [hbm4b:s1+s12], $0x80, s10, s12, $0xb8;
	[tilespmem:$0x15C00] =	vst v63  }
0x4b: {  	_ =	swait.ge [sflag:s29], $0x4000  }
0x4c: {  	[sflag:s29] =	ssyncset.done $0x0  }
0x4d: {  	s10 =	sadd.s32 $0x380, s9;
	[sflag:s29] =	ssyncadd.s32 $0xFFFFC000  }
0x4e: {  	[tilespmem:s16], [sflag:$0x3] =	stream.indirect.gather [hbm4b:s1+s12], $0x80, s10, s12, $0xb8;
	[tilespmem:$0x15C00] =	vst v63  }
0x4f: {  	_ =	swait.ge [sflag:s30], $0x4000  }
0x50: {  	[sflag:s30] =	ssyncset.done $0x0  }
0x51: {  	s10 =	sadd.s32 $0x400, s9;
	[sflag:s30] =	ssyncadd.s32 $0xFFFFC000  }
0x52: {  	[tilespmem:s18], [sflag:$0x4] =	stream.indirect.gather [hbm4b:s1+s12], $0x80, s10, s12, $0xb8;
	[tilespmem:$0x15C00] =	vst v63  }
.Ltmp3:
0x53: {  	_ = 	snop;
	(pc) =	sbr.rel .LBB2_2-.Ltmp3, $4  }
0x54: {  	_ =	swait.ge [sflag:s31], $0x4000  }
0x55: {  	s8 =	sadd.s32 $0xA00, s8;
	[sflag:s31] =	ssyncset.done $0x0  }
0x56: {  	s7 =	sadd.s32 $0x50000, s7;
	s9 =	sadd.s32 $0x480, s9;
	[sflag:s31] =	ssyncadd.s32 $0xFFFFC000  }
0x57: {  	[tilespmem:s20], [sflag:$0x5] =	stream.indirect.gather [hbm4b:s1+s12], $0x80, s9, s12, $0xb8;
	[tilespmem:$0x15C00] =	vst v63  }
.LBB2_5:
0x58: {  	_ =	sfence.sel $0x180000  }
0x59: {  	[bflag:$0x0] =	sbarrier.arrive $0xFFFF  }
0x5a: {  	_ =	strace $0x90000047  }
0x5b: {  	s0 =	stileid.u32;
	[bflag:$0x2] =	sbarrier.arrive $0xFFFF  }
0x5c: {  	p0 =	sne.s32 s0, $0x0;
	s0 =	rddreg [dreg:$0x3]  }
0x5d: {  	s0 =	sadd.s32 @!p0 $0x100000, s0  }
0x5e: {  	[sflag:s0] =	ssyncadd.tile.s32 @!p0 $0x1;
	_ =	shalt  }
.Lfunc_end2:
_tile_overlayer_lowered:
.L_overlay_start_2:
0x5f: {  	(tag) =	ssettag $0x2  }
0x60: {  	s0 =	rddreg [dreg:$0x0];
	s2 =	stileid.u32  }
0x61: {  	s1 =	rddreg [dreg:$0x1];
	p0 =	sne.s32 s2, $0x0  }
0x62: {  	s3 =	rddreg [dreg:$0x2];
	[bflag:$0x3] =	sbarrier.arrive $0xFFFF;
	s2 =	simm.s32 @!p0 $0x1C0B  }
0x63: {  	[timem:s3], [sflag:s2] =	dma.local @!p0 [hbm:s0], s1  }
0x64: {  	s0 =	simm.s32 @!p0 $0xB  }
0x65: {  	_ =	swait.ge @!p0 [sflag:s0], s1  }
0x66: {  	s1 =	ssub.s32 @!p0 $0x0, s1;
	[sflag:s0] =	ssyncset.done @!p0 $0x0  }
0x67: {  	[sflag:s0] =	ssyncadd.s32 @!p0 s1  }
0x68: {  	[bflag:$0x3] =	sbarrier.arrive $0xFFFF  }
0x69: {  	_ =	shalt  }

</sc_bundles>
